<compile_context>
chip_gen: v7x
topology: tpu7x:2x2x1
jax: 0.10.2.dev20260603
libtpu: 0.0.44.dev20260713+nightly
codegen_flags: <defaults>
</compile_context>

<pallas_src>
import functools

import jax
import jax.numpy as jnp
from jax import lax
from jax.experimental import pallas as pl
from jax.experimental.pallas import tpu as pltpu
from jax.experimental.pallas import tpu_sc as plsc

B = 1024
MAXLEN = 1024
EMB = 128
VOCAB = 21

NC = 2
NS = 16
NW = NC * NS
NTOK = B * MAXLEN
TOK_PER_W = NTOK // NW
CH = 128
NCH = TOK_PER_W // CH

@functools.cache
def _make_emb_sc():
    mesh = plsc.VectorSubcoreMesh(
        core_axis_name="c", subcore_axis_name="s", num_cores=NC, num_subcores=NS
    )
    return functools.partial(
        pl.kernel,
        out_type=jax.ShapeDtypeStruct((NTOK, EMB), jnp.float32),
        mesh=mesh,
        scratch_types=[
            pltpu.VMEM((NCH, CH), jnp.int32),
            pltpu.VMEM((2, CH, EMB), jnp.float32),
            pltpu.VMEM_SHARED((VOCAB, EMB), jnp.float32),
            pltpu.SemaphoreType.DMA,
            pltpu.SemaphoreType.DMA,
        ],
    )(_emb_sc_body)


def _emb_sc_body(tok_hbm, table_hbm, out_hbm, tok_v, rows_v, table_v, gs0, gs1):
    wid = lax.axis_index("s") * NC + lax.axis_index("c")
    chunk0 = wid * NCH

    @pl.when(lax.axis_index("s") == 0)
    def _():
        pltpu.sync_copy(table_hbm, table_v)

    pltpu.sync_copy(tok_hbm.at[pl.ds(chunk0, NCH)], tok_v)
    plsc.subcore_barrier()

    def start_gather(c, buf, sem):
        pltpu.async_copy(table_v.at[tok_v.at[c]], rows_v.at[buf], sem)

    def wait_gather(c, buf, sem):
        pltpu.make_async_copy(table_v.at[tok_v.at[c]], rows_v.at[buf], sem).wait()

    def store(c, buf):
        pltpu.sync_copy(rows_v.at[buf], out_hbm.at[pl.ds((chunk0 + c) * CH, CH)])

    start_gather(0, 0, gs0)
    start_gather(1, 1, gs1)

    @pl.loop(0, NCH // 2 - 1)
    def _(i):
        c = 2 * i
        wait_gather(c, 0, gs0)
        store(c, 0)
        start_gather(c + 2, 0, gs0)
        wait_gather(c + 1, 1, gs1)
        store(c + 1, 1)
        start_gather(c + 3, 1, gs1)

    wait_gather(NCH - 2, 0, gs0)
    store(NCH - 2, 0)
    wait_gather(NCH - 1, 1, gs1)
    store(NCH - 1, 1)


def _count_body(tok_ref, out_ref):
    t = tok_ref[...].reshape(8, 128, MAXLEN)
    out_ref[...] = jnp.sum((t != 0).astype(jnp.int32), axis=2)


_count_tc = pl.pallas_call(
    _count_body,
    out_shape=jax.ShapeDtypeStruct((8, 128), jnp.int32),
)


def kernel(tokens, table):
    tok2d = tokens.reshape(NTOK // CH, CH)
    emb_flat = _make_emb_sc()(tok2d, table)
    emb = emb_flat.reshape(B, MAXLEN, EMB)
    pro_lens = _count_tc(tokens).reshape(B)
    return emb, pro_lens

# --- scband reference (transcript-rebuilt; emitter-appended) ---
"""Pipeline reference for scband-seq-embedder-37056977829926 (READ-ONLY COPY).

The authoritative reference and input builder live on the scoring server;
editing this copy changes nothing except your own understanding.
"""

import jax, jax.numpy as jnp
import numpy as np

B = 1024
MAXLEN = 1024
EMB = 128
VOCAB = 21


def setup_inputs(seed: int = 0) -> dict:
    key = jax.random.key(seed)
    k1, k2 = jax.random.split(key)
    # token ids in [0, 21); 0 is the padding index
    tokens = jax.random.randint(k1, (B, MAXLEN), 0, VOCAB, dtype=jnp.int32)
    # learned embedding table (nn.Embedding(21, emb_size, padding_idx=0));
    # padding row is zero, matching torch's padding_idx initialization
    table = jax.random.normal(k2, (VOCAB, EMB), dtype=jnp.float32)
    table = table.at[0].set(0.0)
    return {"tokens": tokens, "table": table}


def reference(tokens, table):
    # self.embedder(tokens): gather rows of the table by token id
    emb = jnp.take(table, tokens, axis=0)  # [B, MAXLEN, EMB]
    # pro_lens: number of non-pad tokens per sequence (length before padding)
    pro_lens = jnp.sum((tokens != 0).astype(jnp.int32), axis=1)
    return (emb, pro_lens)

if __name__ == "__main__":
    import jax
    _d = setup_inputs()
    print(jax.jit(kernel)(*tuple(_d.values())))

</pallas_src>

<mosaic_0001>
#map = affine_map<(d0, d1) -> (0, 0)>
module attributes {stable_mosaic.version = 14 : i64} {
  func.func @_emb_sc_body(%arg0: i32, %arg1: i32, %arg2: memref<8192x128xi32, #tpu.memory_space<hbm>>, %arg3: memref<21x128xf32, #tpu.memory_space<hbm>>, %arg4: memref<1048576x128xf32, #tpu.memory_space<hbm>>, %arg5: memref<256x128xi32, #tpu.memory_space<vmem>>, %arg6: memref<2x128x128xf32, #tpu.memory_space<vmem>>, %arg7: memref<21x128xf32, #tpu.memory_space<vmem_shared>>, %arg8: memref<!tpu.dma_semaphore, #tpu.memory_space<semaphore_mem>>, %arg9: memref<!tpu.dma_semaphore, #tpu.memory_space<semaphore_mem>>) attributes {dimension_semantics = [#tpu.dimension_semantics<core_parallel>, #tpu.dimension_semantics<subcore_parallel>], iteration_bounds = array<i64: 2, 16>, scalar_prefetch = 0 : i64, scratch_operands = 5 : i64, tpu.core_type = #tpu.core_type<sc_vector_subcore>, window_params = [{transform_indices = #map}, {transform_indices = #map}, {transform_indices = #map}]} {
    %mul3A = arith.constant 2 : i32
    %mul3A_0 = arith.muli %arg1, %mul3A : i32
    %add3A = arith.addi %mul3A_0, %arg0 : i32
    %mul3A_1 = arith.constant 256 : i32
    %mul3A_2 = arith.muli %add3A, %mul3A_1 : i32
    %eq3A = arith.constant 0 : i32
    %eq3A_3 = arith.cmpi eq, %arg1, %eq3A : i32
    %convert_element_type3A = arith.extui %eq3A_3 : i1 to i32
    %cond3A = arith.constant 0 : i32
    %cond3A_4 = arith.cmpi ne, %convert_element_type3A, %cond3A : i32
    scf.if %cond3A_4 {
      "tpu.region"() ({
        %run_scoped3A_64 = tpu.sem_alloc : memref<!tpu.dma_semaphore, #tpu.memory_space<semaphore_mem>>
        tpu.enqueue_dma source(%arg3 : memref<21x128xf32, #tpu.memory_space<hbm>>) target(%arg7 : memref<21x128xf32, #tpu.memory_space<vmem_shared>>) target_semaphore(%run_scoped3A_64 : memref<!tpu.dma_semaphore, #tpu.memory_space<semaphore_mem>>)
        tpu.wait_dma2 semaphore(%run_scoped3A_64 : memref<!tpu.dma_semaphore, #tpu.memory_space<semaphore_mem>>) src(%arg3 : memref<21x128xf32, #tpu.memory_space<hbm>>) dst(%arg7 : memref<21x128xf32, #tpu.memory_space<vmem_shared>>)
        tpu.yield
      }) : () -> ()
    } else {
    }
    "tpu.region"() ({
      %run_scoped3A_64 = tpu.sem_alloc : memref<!tpu.dma_semaphore, #tpu.memory_space<semaphore_mem>>
      %dma_start3A_65 = arith.constant 0 : i32
      %dma_start3A_66 = tpu.memref_slice %arg2[%mul3A_2, %dma_start3A_65] : memref<8192x128xi32, #tpu.memory_space<hbm>> -> memref<256x128xi32, #tpu.memory_space<hbm>>
      %dma_start3A_67 = arith.constant 0 : i32
      %dma_start3A_68 = tpu.memref_slice %arg2[%mul3A_2, %dma_start3A_67] : memref<8192x128xi32, #tpu.memory_space<hbm>> -> memref<256x128xi32, #tpu.memory_space<hbm>>
      tpu.enqueue_dma source(%dma_start3A_68 : memref<256x128xi32, #tpu.memory_space<hbm>>) target(%arg5 : memref<256x128xi32, #tpu.memory_space<vmem>>) target_semaphore(%run_scoped3A_64 : memref<!tpu.dma_semaphore, #tpu.memory_space<semaphore_mem>>)
      %dma_wait3A_69 = arith.constant 0 : i32
      %dma_wait3A_70 = tpu.memref_slice %arg2[%mul3A_2, %dma_wait3A_69] : memref<8192x128xi32, #tpu.memory_space<hbm>> -> memref<256x128xi32, #tpu.memory_space<hbm>>
      %dma_wait3A_71 = arith.constant 0 : i32
      %dma_wait3A_72 = tpu.memref_slice %arg2[%mul3A_2, %dma_wait3A_71] : memref<8192x128xi32, #tpu.memory_space<hbm>> -> memref<256x128xi32, #tpu.memory_space<hbm>>
      tpu.wait_dma2 semaphore(%run_scoped3A_64 : memref<!tpu.dma_semaphore, #tpu.memory_space<semaphore_mem>>) src(%dma_wait3A_72 : memref<256x128xi32, #tpu.memory_space<hbm>>) dst(%arg5 : memref<256x128xi32, #tpu.memory_space<vmem>>)
      tpu.yield
    }) : () -> ()
    %barrier3A = arith.constant 0 : index
    tpu.barrier barrier_id(%barrier3A)
    %dma_start3A = arith.constant 0 : i32
    %dma_start3A_5 = arith.constant 0 : i32
    %dma_start3A_6 = arith.constant 0 : i32
    %dma_start3A_7 = arith.constant 0 : i32
    %dma_start3A_8 = tpu.memref_slice %arg6[%dma_start3A_5, %dma_start3A_6, %dma_start3A_7] : memref<2x128x128xf32, #tpu.memory_space<vmem>> -> memref<1x128x128xf32, #tpu.memory_space<vmem>>
    %dma_start3A_9 = tpu.memref_squeeze %dma_start3A_8 : memref<1x128x128xf32, #tpu.memory_space<vmem>> -> memref<128x128xf32, #tpu.memory_space<vmem>>
    %dma_start3A_10 = arith.constant 0 : i32
    %dma_start3A_11 = tpu.memref_slice %arg5[%dma_start3A, %dma_start3A_10] : memref<256x128xi32, #tpu.memory_space<vmem>> -> memref<1x128xi32, #tpu.memory_space<vmem>>
    %dma_start3A_12 = tpu.memref_squeeze %dma_start3A_11 : memref<1x128xi32, #tpu.memory_space<vmem>> -> memref<128xi32, #tpu.memory_space<vmem>>
    %dma_start3A_13 = arith.constant 0 : i32
    %dma_start3A_14 = arith.constant 0 : i32
    %dma_start3A_15 = tpu.memref_slice %arg7[%dma_start3A_13, %dma_start3A_14] : memref<21x128xf32, #tpu.memory_space<vmem_shared>> -> memref<21x128xf32, #tpu.memory_space<vmem_shared>>
    tpu.enqueue_indirect_dma source(%dma_start3A_15 : memref<21x128xf32, #tpu.memory_space<vmem_shared>>) target(%dma_start3A_9 : memref<128x128xf32, #tpu.memory_space<vmem>>) offsets(%dma_start3A_12 : memref<128xi32, #tpu.memory_space<vmem>>) semaphore(%arg8 : memref<!tpu.dma_semaphore, #tpu.memory_space<semaphore_mem>>)
    %dma_start3A_16 = arith.constant 1 : i32
    %dma_start3A_17 = arith.constant 1 : i32
    %dma_start3A_18 = arith.constant 0 : i32
    %dma_start3A_19 = arith.constant 0 : i32
    %dma_start3A_20 = tpu.memref_slice %arg6[%dma_start3A_17, %dma_start3A_18, %dma_start3A_19] : memref<2x128x128xf32, #tpu.memory_space<vmem>> -> memref<1x128x128xf32, #tpu.memory_space<vmem>>
    %dma_start3A_21 = tpu.memref_squeeze %dma_start3A_20 : memref<1x128x128xf32, #tpu.memory_space<vmem>> -> memref<128x128xf32, #tpu.memory_space<vmem>>
    %dma_start3A_22 = arith.constant 0 : i32
    %dma_start3A_23 = tpu.memref_slice %arg5[%dma_start3A_16, %dma_start3A_22] : memref<256x128xi32, #tpu.memory_space<vmem>> -> memref<1x128xi32, #tpu.memory_space<vmem>>
    %dma_start3A_24 = tpu.memref_squeeze %dma_start3A_23 : memref<1x128xi32, #tpu.memory_space<vmem>> -> memref<128xi32, #tpu.memory_space<vmem>>
    %dma_start3A_25 = arith.constant 0 : i32
    %dma_start3A_26 = arith.constant 0 : i32
    %dma_start3A_27 = tpu.memref_slice %arg7[%dma_start3A_25, %dma_start3A_26] : memref<21x128xf32, #tpu.memory_space<vmem_shared>> -> memref<21x128xf32, #tpu.memory_space<vmem_shared>>
    tpu.enqueue_indirect_dma source(%dma_start3A_27 : memref<21x128xf32, #tpu.memory_space<vmem_shared>>) target(%dma_start3A_21 : memref<128x128xf32, #tpu.memory_space<vmem>>) offsets(%dma_start3A_24 : memref<128xi32, #tpu.memory_space<vmem>>) semaphore(%arg9 : memref<!tpu.dma_semaphore, #tpu.memory_space<semaphore_mem>>)
    %scan3A = arith.constant 0 : i32
    %scan3A_28 = arith.constant 127 : i32
    %scan3A_29 = arith.addi %scan3A, %scan3A_28 : i32
    %scan3A_30 = arith.constant 1 : i32
    scf.for %scan3A_64 = %scan3A to %scan3A_29 step %scan3A_30  : i32 {
      %mul3A_65 = arith.constant 1 : i32
      %mul3A_66 = arith.muli %scan3A_64, %mul3A_65 : i32
      %add3A_67 = arith.constant 0 : i32
      %add3A_68 = arith.addi %add3A_67, %mul3A_66 : i32
      %mul3A_69 = arith.constant 2 : i32
      %mul3A_70 = arith.muli %mul3A_69, %add3A_68 : i32
      %dma_wait3A_71 = arith.constant 0 : i32
      %dma_wait3A_72 = arith.constant 0 : i32
      %dma_wait3A_73 = arith.constant 0 : i32
      %dma_wait3A_74 = tpu.memref_slice %arg6[%dma_wait3A_71, %dma_wait3A_72, %dma_wait3A_73] : memref<2x128x128xf32, #tpu.memory_space<vmem>> -> memref<1x128x128xf32, #tpu.memory_space<vmem>>
      %dma_wait3A_75 = tpu.memref_squeeze %dma_wait3A_74 : memref<1x128x128xf32, #tpu.memory_space<vmem>> -> memref<128x128xf32, #tpu.memory_space<vmem>>
      %dma_wait3A_76 = arith.constant 0 : i32
      %dma_wait3A_77 = tpu.memref_slice %arg5[%mul3A_70, %dma_wait3A_76] : memref<256x128xi32, #tpu.memory_space<vmem>> -> memref<1x128xi32, #tpu.memory_space<vmem>>
      %dma_wait3A_78 = tpu.memref_squeeze %dma_wait3A_77 : memref<1x128xi32, #tpu.memory_space<vmem>> -> memref<128xi32, #tpu.memory_space<vmem>>
      %dma_wait3A_79 = arith.constant 0 : i32
      %dma_wait3A_80 = arith.constant 0 : i32
      %dma_wait3A_81 = tpu.memref_slice %arg7[%dma_wait3A_79, %dma_wait3A_80] : memref<21x128xf32, #tpu.memory_space<vmem_shared>> -> memref<21x128xf32, #tpu.memory_space<vmem_shared>>
      tpu.wait_indirect_dma semaphore(%arg8 : memref<!tpu.dma_semaphore, #tpu.memory_space<semaphore_mem>>) src(%dma_wait3A_81 : memref<21x128xf32, #tpu.memory_space<vmem_shared>>) dst(%dma_wait3A_75 : memref<128x128xf32, #tpu.memory_space<vmem>>)
      %add3A_82 = arith.addi %mul3A_2, %mul3A_70 : i32
      %mul3A_83 = arith.constant 128 : i32
      %mul3A_84 = arith.muli %add3A_82, %mul3A_83 : i32
      %run_scoped3A_85 = arith.constant 0 : i32
      "tpu.region"() ({
        %run_scoped3A_131 = tpu.sem_alloc : memref<!tpu.dma_semaphore, #tpu.memory_space<semaphore_mem>>
        %dma_start3A_132 = arith.constant 0 : i32
        %dma_start3A_133 = arith.constant 0 : i32
        %dma_start3A_134 = tpu.memref_slice %arg6[%run_scoped3A_85, %dma_start3A_132, %dma_start3A_133] : memref<2x128x128xf32, #tpu.memory_space<vmem>> -> memref<1x128x128xf32, #tpu.memory_space<vmem>>
        %dma_start3A_135 = tpu.memref_squeeze %dma_start3A_134 : memref<1x128x128xf32, #tpu.memory_space<vmem>> -> memref<128x128xf32, #tpu.memory_space<vmem>>
        %dma_start3A_136 = arith.constant 0 : i32
        %dma_start3A_137 = tpu.memref_slice %arg4[%mul3A_84, %dma_start3A_136] : memref<1048576x128xf32, #tpu.memory_space<hbm>> -> memref<128x128xf32, #tpu.memory_space<hbm>>
        %dma_start3A_138 = arith.constant 0 : i32
        %dma_start3A_139 = tpu.memref_slice %arg4[%mul3A_84, %dma_start3A_138] : memref<1048576x128xf32, #tpu.memory_space<hbm>> -> memref<128x128xf32, #tpu.memory_space<hbm>>
        %dma_start3A_140 = arith.constant 0 : i32
        %dma_start3A_141 = arith.constant 0 : i32
        %dma_start3A_142 = tpu.memref_slice %arg6[%run_scoped3A_85, %dma_start3A_140, %dma_start3A_141] : memref<2x128x128xf32, #tpu.memory_space<vmem>> -> memref<1x128x128xf32, #tpu.memory_space<vmem>>
        %dma_start3A_143 = tpu.memref_squeeze %dma_start3A_142 : memref<1x128x128xf32, #tpu.memory_space<vmem>> -> memref<128x128xf32, #tpu.memory_space<vmem>>
        tpu.enqueue_dma source(%dma_start3A_143 : memref<128x128xf32, #tpu.memory_space<vmem>>) target(%dma_start3A_139 : memref<128x128xf32, #tpu.memory_space<hbm>>) target_semaphore(%run_scoped3A_131 : memref<!tpu.dma_semaphore, #tpu.memory_space<semaphore_mem>>)
        %dma_wait3A_144 = arith.constant 0 : i32
        %dma_wait3A_145 = arith.constant 0 : i32
        %dma_wait3A_146 = tpu.memref_slice %arg6[%run_scoped3A_85, %dma_wait3A_144, %dma_wait3A_145] : memref<2x128x128xf32, #tpu.memory_space<vmem>> -> memref<1x128x128xf32, #tpu.memory_space<vmem>>
        %dma_wait3A_147 = tpu.memref_squeeze %dma_wait3A_146 : memref<1x128x128xf32, #tpu.memory_space<vmem>> -> memref<128x128xf32, #tpu.memory_space<vmem>>
        %dma_wait3A_148 = arith.constant 0 : i32
        %dma_wait3A_149 = tpu.memref_slice %arg4[%mul3A_84, %dma_wait3A_148] : memref<1048576x128xf32, #tpu.memory_space<hbm>> -> memref<128x128xf32, #tpu.memory_space<hbm>>
        %dma_wait3A_150 = arith.constant 0 : i32
        %dma_wait3A_151 = tpu.memref_slice %arg4[%mul3A_84, %dma_wait3A_150] : memref<1048576x128xf32, #tpu.memory_space<hbm>> -> memref<128x128xf32, #tpu.memory_space<hbm>>
        %dma_wait3A_152 = arith.constant 0 : i32
        %dma_wait3A_153 = arith.constant 0 : i32
        %dma_wait3A_154 = tpu.memref_slice %arg6[%run_scoped3A_85, %dma_wait3A_152, %dma_wait3A_153] : memref<2x128x128xf32, #tpu.memory_space<vmem>> -> memref<1x128x128xf32, #tpu.memory_space<vmem>>
        %dma_wait3A_155 = tpu.memref_squeeze %dma_wait3A_154 : memref<1x128x128xf32, #tpu.memory_space<vmem>> -> memref<128x128xf32, #tpu.memory_space<vmem>>
        tpu.wait_dma2 semaphore(%run_scoped3A_131 : memref<!tpu.dma_semaphore, #tpu.memory_space<semaphore_mem>>) src(%dma_wait3A_155 : memref<128x128xf32, #tpu.memory_space<vmem>>) dst(%dma_wait3A_151 : memref<128x128xf32, #tpu.memory_space<hbm>>)
        tpu.yield
      }) : () -> ()
      %add3A_86 = arith.constant 2 : i32
      %add3A_87 = arith.addi %mul3A_70, %add3A_86 : i32
      %dma_start3A_88 = arith.constant 0 : i32
      %dma_start3A_89 = arith.constant 0 : i32
      %dma_start3A_90 = arith.constant 0 : i32
      %dma_start3A_91 = tpu.memref_slice %arg6[%dma_start3A_88, %dma_start3A_89, %dma_start3A_90] : memref<2x128x128xf32, #tpu.memory_space<vmem>> -> memref<1x128x128xf32, #tpu.memory_space<vmem>>
      %dma_start3A_92 = tpu.memref_squeeze %dma_start3A_91 : memref<1x128x128xf32, #tpu.memory_space<vmem>> -> memref<128x128xf32, #tpu.memory_space<vmem>>
      %dma_start3A_93 = arith.constant 0 : i32
      %dma_start3A_94 = tpu.memref_slice %arg5[%add3A_87, %dma_start3A_93] : memref<256x128xi32, #tpu.memory_space<vmem>> -> memref<1x128xi32, #tpu.memory_space<vmem>>
      %dma_start3A_95 = tpu.memref_squeeze %dma_start3A_94 : memref<1x128xi32, #tpu.memory_space<vmem>> -> memref<128xi32, #tpu.memory_space<vmem>>
      %dma_start3A_96 = arith.constant 0 : i32
      %dma_start3A_97 = arith.constant 0 : i32
      %dma_start3A_98 = tpu.memref_slice %arg7[%dma_start3A_96, %dma_start3A_97] : memref<21x128xf32, #tpu.memory_space<vmem_shared>> -> memref<21x128xf32, #tpu.memory_space<vmem_shared>>
      tpu.enqueue_indirect_dma source(%dma_start3A_98 : memref<21x128xf32, #tpu.memory_space<vmem_shared>>) target(%dma_start3A_92 : memref<128x128xf32, #tpu.memory_space<vmem>>) offsets(%dma_start3A_95 : memref<128xi32, #tpu.memory_space<vmem>>) semaphore(%arg8 : memref<!tpu.dma_semaphore, #tpu.memory_space<semaphore_mem>>)
      %add3A_99 = arith.constant 1 : i32
      %add3A_100 = arith.addi %mul3A_70, %add3A_99 : i32
      %dma_wait3A_101 = arith.constant 1 : i32
      %dma_wait3A_102 = arith.constant 0 : i32
      %dma_wait3A_103 = arith.constant 0 : i32
      %dma_wait3A_104 = tpu.memref_slice %arg6[%dma_wait3A_101, %dma_wait3A_102, %dma_wait3A_103] : memref<2x128x128xf32, #tpu.memory_space<vmem>> -> memref<1x128x128xf32, #tpu.memory_space<vmem>>
      %dma_wait3A_105 = tpu.memref_squeeze %dma_wait3A_104 : memref<1x128x128xf32, #tpu.memory_space<vmem>> -> memref<128x128xf32, #tpu.memory_space<vmem>>
      %dma_wait3A_106 = arith.constant 0 : i32
      %dma_wait3A_107 = tpu.memref_slice %arg5[%add3A_100, %dma_wait3A_106] : memref<256x128xi32, #tpu.memory_space<vmem>> -> memref<1x128xi32, #tpu.memory_space<vmem>>
      %dma_wait3A_108 = tpu.memref_squeeze %dma_wait3A_107 : memref<1x128xi32, #tpu.memory_space<vmem>> -> memref<128xi32, #tpu.memory_space<vmem>>
      %dma_wait3A_109 = arith.constant 0 : i32
      %dma_wait3A_110 = arith.constant 0 : i32
      %dma_wait3A_111 = tpu.memref_slice %arg7[%dma_wait3A_109, %dma_wait3A_110] : memref<21x128xf32, #tpu.memory_space<vmem_shared>> -> memref<21x128xf32, #tpu.memory_space<vmem_shared>>
      tpu.wait_indirect_dma semaphore(%arg9 : memref<!tpu.dma_semaphore, #tpu.memory_space<semaphore_mem>>) src(%dma_wait3A_111 : memref<21x128xf32, #tpu.memory_space<vmem_shared>>) dst(%dma_wait3A_105 : memref<128x128xf32, #tpu.memory_space<vmem>>)
      %add3A_112 = arith.constant 1 : i32
      %add3A_113 = arith.addi %mul3A_70, %add3A_112 : i32
      %add3A_114 = arith.addi %mul3A_2, %add3A_113 : i32
      %mul3A_115 = arith.constant 128 : i32
      %mul3A_116 = arith.muli %add3A_114, %mul3A_115 : i32
      %run_scoped3A_117 = arith.constant 1 : i32
      "tpu.region"() ({
        %run_scoped3A_131 = tpu.sem_alloc : memref<!tpu.dma_semaphore, #tpu.memory_space<semaphore_mem>>
        %dma_start3A_132 = arith.constant 0 : i32
        %dma_start3A_133 = arith.constant 0 : i32
        %dma_start3A_134 = tpu.memref_slice %arg6[%run_scoped3A_117, %dma_start3A_132, %dma_start3A_133] : memref<2x128x128xf32, #tpu.memory_space<vmem>> -> memref<1x128x128xf32, #tpu.memory_space<vmem>>
        %dma_start3A_135 = tpu.memref_squeeze %dma_start3A_134 : memref<1x128x128xf32, #tpu.memory_space<vmem>> -> memref<128x128xf32, #tpu.memory_space<vmem>>
        %dma_start3A_136 = arith.constant 0 : i32
        %dma_start3A_137 = tpu.memref_slice %arg4[%mul3A_116, %dma_start3A_136] : memref<1048576x128xf32, #tpu.memory_space<hbm>> -> memref<128x128xf32, #tpu.memory_space<hbm>>
        %dma_start3A_138 = arith.constant 0 : i32
        %dma_start3A_139 = tpu.memref_slice %arg4[%mul3A_116, %dma_start3A_138] : memref<1048576x128xf32, #tpu.memory_space<hbm>> -> memref<128x128xf32, #tpu.memory_space<hbm>>
        %dma_start3A_140 = arith.constant 0 : i32
        %dma_start3A_141 = arith.constant 0 : i32
        %dma_start3A_142 = tpu.memref_slice %arg6[%run_scoped3A_117, %dma_start3A_140, %dma_start3A_141] : memref<2x128x128xf32, #tpu.memory_space<vmem>> -> memref<1x128x128xf32, #tpu.memory_space<vmem>>
        %dma_start3A_143 = tpu.memref_squeeze %dma_start3A_142 : memref<1x128x128xf32, #tpu.memory_space<vmem>> -> memref<128x128xf32, #tpu.memory_space<vmem>>
        tpu.enqueue_dma source(%dma_start3A_143 : memref<128x128xf32, #tpu.memory_space<vmem>>) target(%dma_start3A_139 : memref<128x128xf32, #tpu.memory_space<hbm>>) target_semaphore(%run_scoped3A_131 : memref<!tpu.dma_semaphore, #tpu.memory_space<semaphore_mem>>)
        %dma_wait3A_144 = arith.constant 0 : i32
        %dma_wait3A_145 = arith.constant 0 : i32
        %dma_wait3A_146 = tpu.memref_slice %arg6[%run_scoped3A_117, %dma_wait3A_144, %dma_wait3A_145] : memref<2x128x128xf32, #tpu.memory_space<vmem>> -> memref<1x128x128xf32, #tpu.memory_space<vmem>>
        %dma_wait3A_147 = tpu.memref_squeeze %dma_wait3A_146 : memref<1x128x128xf32, #tpu.memory_space<vmem>> -> memref<128x128xf32, #tpu.memory_space<vmem>>
        %dma_wait3A_148 = arith.constant 0 : i32
        %dma_wait3A_149 = tpu.memref_slice %arg4[%mul3A_116, %dma_wait3A_148] : memref<1048576x128xf32, #tpu.memory_space<hbm>> -> memref<128x128xf32, #tpu.memory_space<hbm>>
        %dma_wait3A_150 = arith.constant 0 : i32
        %dma_wait3A_151 = tpu.memref_slice %arg4[%mul3A_116, %dma_wait3A_150] : memref<1048576x128xf32, #tpu.memory_space<hbm>> -> memref<128x128xf32, #tpu.memory_space<hbm>>
        %dma_wait3A_152 = arith.constant 0 : i32
        %dma_wait3A_153 = arith.constant 0 : i32
        %dma_wait3A_154 = tpu.memref_slice %arg6[%run_scoped3A_117, %dma_wait3A_152, %dma_wait3A_153] : memref<2x128x128xf32, #tpu.memory_space<vmem>> -> memref<1x128x128xf32, #tpu.memory_space<vmem>>
        %dma_wait3A_155 = tpu.memref_squeeze %dma_wait3A_154 : memref<1x128x128xf32, #tpu.memory_space<vmem>> -> memref<128x128xf32, #tpu.memory_space<vmem>>
        tpu.wait_dma2 semaphore(%run_scoped3A_131 : memref<!tpu.dma_semaphore, #tpu.memory_space<semaphore_mem>>) src(%dma_wait3A_155 : memref<128x128xf32, #tpu.memory_space<vmem>>) dst(%dma_wait3A_151 : memref<128x128xf32, #tpu.memory_space<hbm>>)
        tpu.yield
      }) : () -> ()
      %add3A_118 = arith.constant 3 : i32
      %add3A_119 = arith.addi %mul3A_70, %add3A_118 : i32
      %dma_start3A_120 = arith.constant 1 : i32
      %dma_start3A_121 = arith.constant 0 : i32
      %dma_start3A_122 = arith.constant 0 : i32
      %dma_start3A_123 = tpu.memref_slice %arg6[%dma_start3A_120, %dma_start3A_121, %dma_start3A_122] : memref<2x128x128xf32, #tpu.memory_space<vmem>> -> memref<1x128x128xf32, #tpu.memory_space<vmem>>
      %dma_start3A_124 = tpu.memref_squeeze %dma_start3A_123 : memref<1x128x128xf32, #tpu.memory_space<vmem>> -> memref<128x128xf32, #tpu.memory_space<vmem>>
      %dma_start3A_125 = arith.constant 0 : i32
      %dma_start3A_126 = tpu.memref_slice %arg5[%add3A_119, %dma_start3A_125] : memref<256x128xi32, #tpu.memory_space<vmem>> -> memref<1x128xi32, #tpu.memory_space<vmem>>
      %dma_start3A_127 = tpu.memref_squeeze %dma_start3A_126 : memref<1x128xi32, #tpu.memory_space<vmem>> -> memref<128xi32, #tpu.memory_space<vmem>>
      %dma_start3A_128 = arith.constant 0 : i32
      %dma_start3A_129 = arith.constant 0 : i32
      %dma_start3A_130 = tpu.memref_slice %arg7[%dma_start3A_128, %dma_start3A_129] : memref<21x128xf32, #tpu.memory_space<vmem_shared>> -> memref<21x128xf32, #tpu.memory_space<vmem_shared>>
      tpu.enqueue_indirect_dma source(%dma_start3A_130 : memref<21x128xf32, #tpu.memory_space<vmem_shared>>) target(%dma_start3A_124 : memref<128x128xf32, #tpu.memory_space<vmem>>) offsets(%dma_start3A_127 : memref<128xi32, #tpu.memory_space<vmem>>) semaphore(%arg9 : memref<!tpu.dma_semaphore, #tpu.memory_space<semaphore_mem>>)
    }
    %scan3A_31 = arith.constant 127 : i32
    %dma_wait3A = arith.constant 254 : i32
    %dma_wait3A_32 = arith.constant 0 : i32
    %dma_wait3A_33 = arith.constant 0 : i32
    %dma_wait3A_34 = arith.constant 0 : i32
    %dma_wait3A_35 = tpu.memref_slice %arg6[%dma_wait3A_32, %dma_wait3A_33, %dma_wait3A_34] : memref<2x128x128xf32, #tpu.memory_space<vmem>> -> memref<1x128x128xf32, #tpu.memory_space<vmem>>
    %dma_wait3A_36 = tpu.memref_squeeze %dma_wait3A_35 : memref<1x128x128xf32, #tpu.memory_space<vmem>> -> memref<128x128xf32, #tpu.memory_space<vmem>>
    %dma_wait3A_37 = arith.constant 0 : i32
    %dma_wait3A_38 = tpu.memref_slice %arg5[%dma_wait3A, %dma_wait3A_37] : memref<256x128xi32, #tpu.memory_space<vmem>> -> memref<1x128xi32, #tpu.memory_space<vmem>>
    %dma_wait3A_39 = tpu.memref_squeeze %dma_wait3A_38 : memref<1x128xi32, #tpu.memory_space<vmem>> -> memref<128xi32, #tpu.memory_space<vmem>>
    %dma_wait3A_40 = arith.constant 0 : i32
    %dma_wait3A_41 = arith.constant 0 : i32
    %dma_wait3A_42 = tpu.memref_slice %arg7[%dma_wait3A_40, %dma_wait3A_41] : memref<21x128xf32, #tpu.memory_space<vmem_shared>> -> memref<21x128xf32, #tpu.memory_space<vmem_shared>>
    tpu.wait_indirect_dma semaphore(%arg8 : memref<!tpu.dma_semaphore, #tpu.memory_space<semaphore_mem>>) src(%dma_wait3A_42 : memref<21x128xf32, #tpu.memory_space<vmem_shared>>) dst(%dma_wait3A_36 : memref<128x128xf32, #tpu.memory_space<vmem>>)
    %add3A_43 = arith.constant 254 : i32
    %add3A_44 = arith.addi %mul3A_2, %add3A_43 : i32
    %mul3A_45 = arith.constant 128 : i32
    %mul3A_46 = arith.muli %add3A_44, %mul3A_45 : i32
    %run_scoped3A = arith.constant 0 : i32
    "tpu.region"() ({
      %run_scoped3A_64 = tpu.sem_alloc : memref<!tpu.dma_semaphore, #tpu.memory_space<semaphore_mem>>
      %dma_start3A_65 = arith.constant 0 : i32
      %dma_start3A_66 = arith.constant 0 : i32
      %dma_start3A_67 = tpu.memref_slice %arg6[%run_scoped3A, %dma_start3A_65, %dma_start3A_66] : memref<2x128x128xf32, #tpu.memory_space<vmem>> -> memref<1x128x128xf32, #tpu.memory_space<vmem>>
      %dma_start3A_68 = tpu.memref_squeeze %dma_start3A_67 : memref<1x128x128xf32, #tpu.memory_space<vmem>> -> memref<128x128xf32, #tpu.memory_space<vmem>>
      %dma_start3A_69 = arith.constant 0 : i32
      %dma_start3A_70 = tpu.memref_slice %arg4[%mul3A_46, %dma_start3A_69] : memref<1048576x128xf32, #tpu.memory_space<hbm>> -> memref<128x128xf32, #tpu.memory_space<hbm>>
      %dma_start3A_71 = arith.constant 0 : i32
      %dma_start3A_72 = tpu.memref_slice %arg4[%mul3A_46, %dma_start3A_71] : memref<1048576x128xf32, #tpu.memory_space<hbm>> -> memref<128x128xf32, #tpu.memory_space<hbm>>
      %dma_start3A_73 = arith.constant 0 : i32
      %dma_start3A_74 = arith.constant 0 : i32
      %dma_start3A_75 = tpu.memref_slice %arg6[%run_scoped3A, %dma_start3A_73, %dma_start3A_74] : memref<2x128x128xf32, #tpu.memory_space<vmem>> -> memref<1x128x128xf32, #tpu.memory_space<vmem>>
      %dma_start3A_76 = tpu.memref_squeeze %dma_start3A_75 : memref<1x128x128xf32, #tpu.memory_space<vmem>> -> memref<128x128xf32, #tpu.memory_space<vmem>>
      tpu.enqueue_dma source(%dma_start3A_76 : memref<128x128xf32, #tpu.memory_space<vmem>>) target(%dma_start3A_72 : memref<128x128xf32, #tpu.memory_space<hbm>>) target_semaphore(%run_scoped3A_64 : memref<!tpu.dma_semaphore, #tpu.memory_space<semaphore_mem>>)
      %dma_wait3A_77 = arith.constant 0 : i32
      %dma_wait3A_78 = arith.constant 0 : i32
      %dma_wait3A_79 = tpu.memref_slice %arg6[%run_scoped3A, %dma_wait3A_77, %dma_wait3A_78] : memref<2x128x128xf32, #tpu.memory_space<vmem>> -> memref<1x128x128xf32, #tpu.memory_space<vmem>>
      %dma_wait3A_80 = tpu.memref_squeeze %dma_wait3A_79 : memref<1x128x128xf32, #tpu.memory_space<vmem>> -> memref<128x128xf32, #tpu.memory_space<vmem>>
      %dma_wait3A_81 = arith.constant 0 : i32
      %dma_wait3A_82 = tpu.memref_slice %arg4[%mul3A_46, %dma_wait3A_81] : memref<1048576x128xf32, #tpu.memory_space<hbm>> -> memref<128x128xf32, #tpu.memory_space<hbm>>
      %dma_wait3A_83 = arith.constant 0 : i32
      %dma_wait3A_84 = tpu.memref_slice %arg4[%mul3A_46, %dma_wait3A_83] : memref<1048576x128xf32, #tpu.memory_space<hbm>> -> memref<128x128xf32, #tpu.memory_space<hbm>>
      %dma_wait3A_85 = arith.constant 0 : i32
      %dma_wait3A_86 = arith.constant 0 : i32
      %dma_wait3A_87 = tpu.memref_slice %arg6[%run_scoped3A, %dma_wait3A_85, %dma_wait3A_86] : memref<2x128x128xf32, #tpu.memory_space<vmem>> -> memref<1x128x128xf32, #tpu.memory_space<vmem>>
      %dma_wait3A_88 = tpu.memref_squeeze %dma_wait3A_87 : memref<1x128x128xf32, #tpu.memory_space<vmem>> -> memref<128x128xf32, #tpu.memory_space<vmem>>
      tpu.wait_dma2 semaphore(%run_scoped3A_64 : memref<!tpu.dma_semaphore, #tpu.memory_space<semaphore_mem>>) src(%dma_wait3A_88 : memref<128x128xf32, #tpu.memory_space<vmem>>) dst(%dma_wait3A_84 : memref<128x128xf32, #tpu.memory_space<hbm>>)
      tpu.yield
    }) : () -> ()
    %dma_wait3A_47 = arith.constant 255 : i32
    %dma_wait3A_48 = arith.constant 1 : i32
    %dma_wait3A_49 = arith.constant 0 : i32
    %dma_wait3A_50 = arith.constant 0 : i32
    %dma_wait3A_51 = tpu.memref_slice %arg6[%dma_wait3A_48, %dma_wait3A_49, %dma_wait3A_50] : memref<2x128x128xf32, #tpu.memory_space<vmem>> -> memref<1x128x128xf32, #tpu.memory_space<vmem>>
    %dma_wait3A_52 = tpu.memref_squeeze %dma_wait3A_51 : memref<1x128x128xf32, #tpu.memory_space<vmem>> -> memref<128x128xf32, #tpu.memory_space<vmem>>
    %dma_wait3A_53 = arith.constant 0 : i32
    %dma_wait3A_54 = tpu.memref_slice %arg5[%dma_wait3A_47, %dma_wait3A_53] : memref<256x128xi32, #tpu.memory_space<vmem>> -> memref<1x128xi32, #tpu.memory_space<vmem>>
    %dma_wait3A_55 = tpu.memref_squeeze %dma_wait3A_54 : memref<1x128xi32, #tpu.memory_space<vmem>> -> memref<128xi32, #tpu.memory_space<vmem>>
    %dma_wait3A_56 = arith.constant 0 : i32
    %dma_wait3A_57 = arith.constant 0 : i32
    %dma_wait3A_58 = tpu.memref_slice %arg7[%dma_wait3A_56, %dma_wait3A_57] : memref<21x128xf32, #tpu.memory_space<vmem_shared>> -> memref<21x128xf32, #tpu.memory_space<vmem_shared>>
    tpu.wait_indirect_dma semaphore(%arg9 : memref<!tpu.dma_semaphore, #tpu.memory_space<semaphore_mem>>) src(%dma_wait3A_58 : memref<21x128xf32, #tpu.memory_space<vmem_shared>>) dst(%dma_wait3A_52 : memref<128x128xf32, #tpu.memory_space<vmem>>)
    %add3A_59 = arith.constant 255 : i32
    %add3A_60 = arith.addi %mul3A_2, %add3A_59 : i32
    %mul3A_61 = arith.constant 128 : i32
    %mul3A_62 = arith.muli %add3A_60, %mul3A_61 : i32
    %run_scoped3A_63 = arith.constant 1 : i32
    "tpu.region"() ({
      %run_scoped3A_64 = tpu.sem_alloc : memref<!tpu.dma_semaphore, #tpu.memory_space<semaphore_mem>>
      %dma_start3A_65 = arith.constant 0 : i32
      %dma_start3A_66 = arith.constant 0 : i32
      %dma_start3A_67 = tpu.memref_slice %arg6[%run_scoped3A_63, %dma_start3A_65, %dma_start3A_66] : memref<2x128x128xf32, #tpu.memory_space<vmem>> -> memref<1x128x128xf32, #tpu.memory_space<vmem>>
      %dma_start3A_68 = tpu.memref_squeeze %dma_start3A_67 : memref<1x128x128xf32, #tpu.memory_space<vmem>> -> memref<128x128xf32, #tpu.memory_space<vmem>>
      %dma_start3A_69 = arith.constant 0 : i32
      %dma_start3A_70 = tpu.memref_slice %arg4[%mul3A_62, %dma_start3A_69] : memref<1048576x128xf32, #tpu.memory_space<hbm>> -> memref<128x128xf32, #tpu.memory_space<hbm>>
      %dma_start3A_71 = arith.constant 0 : i32
      %dma_start3A_72 = tpu.memref_slice %arg4[%mul3A_62, %dma_start3A_71] : memref<1048576x128xf32, #tpu.memory_space<hbm>> -> memref<128x128xf32, #tpu.memory_space<hbm>>
      %dma_start3A_73 = arith.constant 0 : i32
      %dma_start3A_74 = arith.constant 0 : i32
      %dma_start3A_75 = tpu.memref_slice %arg6[%run_scoped3A_63, %dma_start3A_73, %dma_start3A_74] : memref<2x128x128xf32, #tpu.memory_space<vmem>> -> memref<1x128x128xf32, #tpu.memory_space<vmem>>
      %dma_start3A_76 = tpu.memref_squeeze %dma_start3A_75 : memref<1x128x128xf32, #tpu.memory_space<vmem>> -> memref<128x128xf32, #tpu.memory_space<vmem>>
      tpu.enqueue_dma source(%dma_start3A_76 : memref<128x128xf32, #tpu.memory_space<vmem>>) target(%dma_start3A_72 : memref<128x128xf32, #tpu.memory_space<hbm>>) target_semaphore(%run_scoped3A_64 : memref<!tpu.dma_semaphore, #tpu.memory_space<semaphore_mem>>)
      %dma_wait3A_77 = arith.constant 0 : i32
      %dma_wait3A_78 = arith.constant 0 : i32
      %dma_wait3A_79 = tpu.memref_slice %arg6[%run_scoped3A_63, %dma_wait3A_77, %dma_wait3A_78] : memref<2x128x128xf32, #tpu.memory_space<vmem>> -> memref<1x128x128xf32, #tpu.memory_space<vmem>>
      %dma_wait3A_80 = tpu.memref_squeeze %dma_wait3A_79 : memref<1x128x128xf32, #tpu.memory_space<vmem>> -> memref<128x128xf32, #tpu.memory_space<vmem>>
      %dma_wait3A_81 = arith.constant 0 : i32
      %dma_wait3A_82 = tpu.memref_slice %arg4[%mul3A_62, %dma_wait3A_81] : memref<1048576x128xf32, #tpu.memory_space<hbm>> -> memref<128x128xf32, #tpu.memory_space<hbm>>
      %dma_wait3A_83 = arith.constant 0 : i32
      %dma_wait3A_84 = tpu.memref_slice %arg4[%mul3A_62, %dma_wait3A_83] : memref<1048576x128xf32, #tpu.memory_space<hbm>> -> memref<128x128xf32, #tpu.memory_space<hbm>>
      %dma_wait3A_85 = arith.constant 0 : i32
      %dma_wait3A_86 = arith.constant 0 : i32
      %dma_wait3A_87 = tpu.memref_slice %arg6[%run_scoped3A_63, %dma_wait3A_85, %dma_wait3A_86] : memref<2x128x128xf32, #tpu.memory_space<vmem>> -> memref<1x128x128xf32, #tpu.memory_space<vmem>>
      %dma_wait3A_88 = tpu.memref_squeeze %dma_wait3A_87 : memref<1x128x128xf32, #tpu.memory_space<vmem>> -> memref<128x128xf32, #tpu.memory_space<vmem>>
      tpu.wait_dma2 semaphore(%run_scoped3A_64 : memref<!tpu.dma_semaphore, #tpu.memory_space<semaphore_mem>>) src(%dma_wait3A_88 : memref<128x128xf32, #tpu.memory_space<vmem>>) dst(%dma_wait3A_84 : memref<128x128xf32, #tpu.memory_space<hbm>>)
      tpu.yield
    }) : () -> ()
    return
  }
}

module attributes {stable_mosaic.version = 14 : i64} {
  func.func @_count_body(%arg0: memref<1024x1024xi32, #tpu.memory_space<vmem>>, %arg1: memref<8x128xi32, #tpu.memory_space<vmem>>) attributes {dimension_semantics = [], scalar_prefetch = 0 : i64, scratch_operands = 0 : i64, tpu.core_type = #tpu.core_type<tc>} {
    %get3A = arith.constant 0 : index
    %get3A_0 = arith.constant 0 : index
    %get3A_1 = vector.load %arg0[%get3A, %get3A_0] : memref<1024x1024xi32, #tpu.memory_space<vmem>>, vector<1024x1024xi32>
    %reshape3A = vector.shape_cast %get3A_1 : vector<1024x1024xi32> to vector<8x128x1024xi32>
    %ne3A = arith.constant 0 : i32
    %ne3A_2 = vector.broadcast %ne3A : i32 to vector<8x128x1024xi32>
    %ne3A_3 = arith.cmpi ne, %reshape3A, %ne3A_2 : vector<8x128x1024xi32>
    %convert_element_type3A = arith.extui %ne3A_3 : vector<8x128x1024xi1> to vector<8x128x1024xi32>
    %reduce_sum3A = arith.constant dense<0> : vector<8x128xi32>
    %reduce_sum3A_4 = vector.multi_reduction <add>, %convert_element_type3A, %reduce_sum3A [2] : vector<8x128x1024xi32> to vector<8x128xi32>
    %swap3A = arith.constant 0 : index
    %swap3A_5 = arith.constant 0 : index
    %swap3A_6 = vector.load %arg1[%swap3A, %swap3A_5] : memref<8x128xi32, #tpu.memory_space<vmem>>, vector<8x128xi32>
    tpu.vector_store %arg1[%swap3A, %swap3A_5], %reduce_sum3A_4 {strides = array<i32>} : memref<8x128xi32, #tpu.memory_space<vmem>>, vector<8x128xi32>,
    return
  }
}

</mosaic_0001>

<sc_bundles>
// kernel: kernel.4.cloned.1.call-start
scs
__scs_entry_jumppad:
0x0: {  	(pc) =	sbr.rel $0x88, $3  }
0x1: {  	(tag) =	ssettag $0x0;
	lr =	simm.s32 $0x1  }
0x2: {  	[smem:$0x3F9F] =	sst lr;
	_ =	strace $0xD0000000  }
0x3: {  	_ = 	snop  }
0x4: {  	_ = 	snop  }
0x5: {  	_ = 	snop  }
0x6: {  	_ = 	snop  }
0x7: {  	_ = 	snop  }
__scs_overlays_trampoline_lowered:
0x8: {  	[smem:$0x3FAE] =	sst s0  }
0x9: {  	[smem:$0x3FAF] =	sst s1  }
0xa: {  	[smem:$0x3FB0] =	sst s2  }
0xb: {  	[smem:$0x3FB1] =	sst s3  }
0xc: {  	[smem:$0x3FB2] =	sst s4  }
0xd: {  	[smem:$0x3FB3] =	sst s5  }
0xe: {  	[smem:$0x3FB4] =	sst s6  }
0xf: {  	[smem:$0x3FB5] =	sst s7  }
0x10: {  	[smem:$0x3FB6] =	sst s8  }
0x11: {  	[smem:$0x3FB7] =	sst s9;
	s0 =	simm.s32 @!p0 $0x0  }
0x12: {  	s1 =	sld [smem:$0x3F9D];
	s0 =	simm.s32 @p0 $0x1  }
0x13: {  	[smem:$0x3FB8] =	sst s0;
	s0 =	simm.s32 @!p1 $0x0  }
0x14: {  	s2 =	sld [smem:$0x3F9C];
	s0 =	simm.s32 @p1 $0x1  }
0x15: {  	[smem:$0x3FB9] =	sst s0;
	s0 =	simm.s32 @!p2 $0x0  }
0x16: {  	s3 =	sld [smem:$0x3FDB];
	s0 =	simm.s32 @p2 $0x1  }
0x17: {  	s4 =	simm.s32 $0x1BF5;
	[smem:$0x3FBB] =	sst s0  }
0x18: {  	s0 =	sld [smem:$0x3F9E];
	_ =	swait.ge [sflag:s4], $0x0  }
0x19: {  	s7 =	sld [smem:$0x3F9F]  }
0x1a: {  	s8 =	sadd.s32 $0xFFFFE003, lr  }
0x1b: {  	s9 =	sadd.s32 $0xFFFFFEF7, lr;
	s5 =	simm.s32 $0xFFFFFFFF;
	p2 =	slt.u32 s8, $0xFFFFF086  }
0x1c: {  	p1 =	slt.u32 s9, $0xF7A;
	s5 =	simm.s32 @!p2 $0x0  }
0x1d: {  	s5 =	simm.s32 @p1 $0x1;
	p0 =	seq.s32 s7, s2  }
0x1e: {  	s7 =	smul.u32 @!p0 $0xF7A, s2;
	p2 =	seq.s32 @!p0 s5, $0x0  }
0x1f: {  	s9 =	smul.u32 $0xF7A, s1;
	s8 =	simm.s32 @!p0 $0x1BF5;
	p2 =	por !p2, p0  }
0x20: {  	[sflag:s8] =	ssyncset.s32 @!p0 $0xFFFFF086;
	s6 =	sadd.s32 @!p0 s3, s7;
	s7 =	simm.s32 @!p0 $0x108  }
0x21: {  	s3 =	sadd.s32 s3, s9;
	s6 =	sadd.s32 @!p0 $0x88, s6;
	s7 =	simm.s32 @p2 $0x1082  }
0x22: {  	[simem:s7], [sflag:s8] =	dma.local @!p0 [hbm:s6], $0xF7A  }
0x23: {  	s9 =	sor.u32 $0xD0000000, s2;
	s6 =	simm.s32 $0x108;
	_ =	swait.ge @!p0 [sflag:s8], $0x0  }
0x24: {  	s3 =	sadd.s32 $0x88, s3;
	s6 =	simm.s32 @!p1 $0x1082;
	[sflag:s4] =	ssyncset.s32 $0xFFFFF086  }
0x25: {  	[simem:s6], [sflag:s4] =	dma.local [hbm:s3], $0xF7A  }
0x26: {  	[smem:$0x3F9F] =	sst s1;
	(tag) =	ssettag s2;
	_ =	strace s9  }
0x27: {  	s1 =	sld [smem:$0x3FAF]  }
0x28: {  	s2 =	sld [smem:$0x3FB0]  }
0x29: {  	s4 =	sld [smem:$0x3FB2]  }
0x2a: {  	p0 =	seq.s32 s5, $0x0;
	s5 =	sld [smem:$0x3FB3]  }
0x2b: {  	s6 =	sld [smem:$0x3FB4]  }
0x2c: {  	s7 =	sld [smem:$0x3FB5]  }
0x2d: {  	s3 =	simm.s32 $0x108;
	s8 =	sld [smem:$0x3FB6]  }
0x2e: {  	s3 =	simm.s32 @!p0 $0x1082;
	s9 =	sld [smem:$0x3FB7]  }
0x2f: {  	lr =	sadd.s32 s0, s3;
	s0 =	sld [smem:$0x3FAE]  }
0x30: {  	s3 =	sld [smem:$0x3FB1]  }
0x31: {  	[smem:$0x3FBA] =	sst s10  }
0x32: {  	s10 =	sld [smem:$0x3FB8];
	_ =	sdelay $0x3  }
0x33: {  	p0 =	seq.s32 s10, $0x1;
	s10 =	sld [smem:$0x3FBA];
	_ =	sdelay $0x3  }
0x34: {  	[smem:$0x3FBA] =	sst s10  }
0x35: {  	s10 =	sld [smem:$0x3FB9];
	_ =	sdelay $0x3  }
0x36: {  	p1 =	seq.s32 s10, $0x1;
	s10 =	sld [smem:$0x3FBA];
	_ =	sdelay $0x3  }
0x37: {  	[smem:$0x3FBA] =	sst s10  }
0x38: {  	s10 =	sld [smem:$0x3FBB]  }
0x39: {  	_ = 	snop;
	(pc) =	sbr.ind lr, $3  }
0x3a: {  	_ = 	snop  }
0x3b: {  	_ = 	snop  }
0x3c: {  	p2 =	seq.s32 s10, $0x1;
	s10 =	sld [smem:$0x3FBA]  }
0x3d: {  	_ =	shalt  }
0x3e: {  	_ =	shalt  }
0x3f: {  	_ =	shalt  }
0x40: {  	_ =	shalt  }
0x41: {  	_ =	shalt  }
0x42: {  	_ =	shalt  }
0x43: {  	_ =	shalt  }
0x44: {  	_ =	shalt  }
0x45: {  	_ =	shalt  }
0x46: {  	_ =	shalt  }
0x47: {  	_ =	shalt  }
0x48: {  	_ =	shalt  }
0x49: {  	_ =	shalt  }
0x4a: {  	_ =	shalt  }
0x4b: {  	_ =	shalt  }
0x4c: {  	_ =	shalt  }
0x4d: {  	_ =	shalt  }
0x4e: {  	_ =	shalt  }
0x4f: {  	_ =	shalt  }
0x50: {  	_ =	shalt  }
0x51: {  	_ =	shalt  }
0x52: {  	_ =	shalt  }
0x53: {  	_ =	shalt  }
0x54: {  	_ =	shalt  }
0x55: {  	_ =	shalt  }
0x56: {  	_ =	shalt  }
0x57: {  	_ =	shalt  }
0x58: {  	_ =	shalt  }
0x59: {  	_ =	shalt  }
0x5a: {  	_ =	shalt  }
0x5b: {  	_ =	shalt  }
0x5c: {  	_ =	shalt  }
0x5d: {  	_ =	shalt  }
0x5e: {  	_ =	shalt  }
0x5f: {  	_ =	shalt  }
0x60: {  	_ =	shalt  }
0x61: {  	_ =	shalt  }
0x62: {  	_ =	shalt  }
0x63: {  	_ =	shalt  }
0x64: {  	_ =	shalt  }
0x65: {  	_ =	shalt  }
0x66: {  	_ =	shalt  }
0x67: {  	_ =	shalt  }
0x68: {  	_ =	shalt  }
0x69: {  	_ =	shalt  }
0x6a: {  	_ =	shalt  }
0x6b: {  	_ =	shalt  }
0x6c: {  	_ =	shalt  }
0x6d: {  	_ =	shalt  }
0x6e: {  	_ =	shalt  }
0x6f: {  	_ =	shalt  }
0x70: {  	_ =	shalt  }
0x71: {  	_ =	shalt  }
0x72: {  	_ =	shalt  }
0x73: {  	_ =	shalt  }
0x74: {  	_ =	shalt  }
0x75: {  	_ =	shalt  }
0x76: {  	_ =	shalt  }
0x77: {  	_ =	shalt  }
0x78: {  	_ =	shalt  }
0x79: {  	_ =	shalt  }
0x7a: {  	_ =	shalt  }
0x7b: {  	_ =	shalt  }
0x7c: {  	_ =	shalt  }
0x7d: {  	_ =	shalt  }
0x7e: {  	_ =	shalt  }
0x7f: {  	_ =	shalt  }
0x80: {  	_ =	shalt  }
0x81: {  	_ =	shalt  }
0x82: {  	_ =	shalt  }
0x83: {  	_ =	shalt  }
0x84: {  	_ =	shalt  }
0x85: {  	_ =	shalt  }
0x86: {  	_ =	shalt  }
0x87: {  	_ =	shalt  }
.Lfunc_end0:
.L_simem_size_0:
called_computation_lowered:
.L_overlay_start_0:
0x88: {  	s2 =	sld [smem:$0x3FD9]  }
0x89: {  	s3 =	sld [smem:$0x3FFE];
	_ =	sdelay $0x1  }
0x8a: {  	s1 =	srdreg.scid  }
0x8b: {  	s0 =	sand.u32 $0x1, s1  }
0x8c: {  	s14 =	sshll.u32 s0, $0xA;
	s2 =	sadd.s32 s3, s2  }
0x8d: {  	s2 =	sadd.s32 s2, s14  }
0x8e: {  	[smem:$0x3FC6] =	sst s2  }
0x8f: {  	_ = 	snop  }
0x90: {  	s2 =	sld [smem:$0x3FD0];
	_ =	sdelay $0x2  }
0x91: {  	s4 =	simm.s32 $0xA;
	s5 =	simm.s32 $0x10;
	s15 =	sld [smem:$0x3FC8]  }
0x92: {  	[smem:s5], [sflag:s4] =	dma.local [hbm:s2], $0x1  }
0x93: {  	_ =	swait.eq [sflag:s4], $0x1  }
0x94: {  	[sflag:s4] =	ssyncset.done $0x0  }
0x95: {  	[sflag:s4] =	ssyncadd.s32 $0xFFFFFFFF  }
0x96: {  	s16 =	sld [smem:$0x10];
	(tm) =	ssettm $0x1  }
0x97: {  	s17 =	sld [smem:$0x3FFB];
	_ =	sdelay $0x3  }
0x98: {  	_ =	strace s17  }
0x99: {  	s4 =	sld [smem:$0x3FFC];
	_ =	sdelay $0x3  }
0x9a: {  	_ =	strace s4  }
0x9b: {  	s4 =	sld [smem:$0x3FFD];
	_ =	sdelay $0x3  }
0x9c: {  	_ =	strace s4  }
0x9d: {  	_ =	strace $0x8FFFFFFF  }
0x9e: {  	s18 =	sld [smem:$0x3FDB];
	_ =	sdelay $0x1  }
0x9f: {  	s19 =	simm.s32 $_scs_section_size  }
0xa0: {  	s6 =	simm.s32 $_size__tile_overlayer_lowered;
	s7 =	simm.s32 $_tile_overlayer_lowered  }
0xa1: {  	s22 =	simm.s32 $0x1BFF;
	s21 =	sshll.u32 s7, $0x1;
	s4 =	sadd.s32 s19, s18  }
0xa2: {  	s8 =	simm.s32 $0x0;
	s20 =	sshll.u32 s6, $0x1;
	s6 =	sadd.s32 s21, s4  }
0xa3: {  	[timem:s8], [sflag:s22] =	dma.local [hbm:s6], s20  }
0xa4: {  	_ =	swait.ge [sflag:s22], s20  }
0xa5: {  	s5 =	ssub.s32 $0x0, s20;
	[sflag:s22] =	ssyncset.done $0x0  }
0xa6: {  	[sflag:s22] =	ssyncadd.s32 s5;
	_ =	sdelay $0x1  }
0xa7: {  	s23 =	simm.s32 $0x1B8B  }
0xa8: {  	_ =	swait.ge [sflag:s23], $0x1  }
0xa9: {  	[sflag:s23] =	ssyncset.done $0x0  }
0xaa: {  	s25 =	simm.s32 $0x1B8E;
	s24 =	sld [smem:$0x3FFE];
	[sflag:s23] =	ssyncadd.s32 $0xFFFFFFFF  }
0xab: {  	s26 =	simm.s32 $execute0_lowered;
	[smem:$0x3FD2] =	sst s25  }
0xac: {  	s6 =	sshll.u32 s26, $0x1;
	_ =	strace $0x80000046;
	[dreg:$0x1] =	wrdreg $0xFFFFFFFF  }
0xad: {  	s28 =	simm.s32 $_size_execute0_lowered;
	s4 =	sadd.s32 s4, s6;
	[dreg:$0x0] =	wrdreg $0x0  }
0xae: {  	s6 =	sshll.u32 s28, $0x1;
	[dreg:$0x2] =	wrdreg s4  }
0xaf: {  	[dreg:$0x3] =	wrdreg s6  }
0xb0: {  	[dreg:$0x4] =	wrdreg $0xC0  }
0xb1: {  	_ =	task [dreg:s8], $0x5FFFF  }
0xb2: {  	[dreg:$0x1] =	wrdreg $0xFFFFFFFF  }
0xb3: {  	[dreg:$0x0] =	wrdreg $0x60  }
0xb4: {  	[dreg:$0x2] =	wrdreg s24  }
0xb5: {  	[dreg:$0x3] =	wrdreg s15  }
0xb6: {  	[dreg:$0x4] =	wrdreg s16  }
0xb7: {  	[dreg:$0x5] =	wrdreg $0x100000  }
0xb8: {  	[dreg:$0x6] =	wrdreg $0x9  }
0xb9: {  	_ =	task.clear_ibuf [dreg:s8], $0x7FFFF;
	_ =	strace $0x90000046  }
0xba: {  	s29 =	simm.s32 $0x9;
	_ =	strace $0x80000048  }
0xbb: {  	_ =	swait.ge [sflag:s29], $0x1  }
0xbc: {  	[sflag:s29] =	ssyncadd.s32 $0xFFFFFFFF  }
0xbd: {  	_ =	strace $0x90000048  }
0xbe: {  	_ =	sfence  }
0xbf: {  	s30 =	sld [smem:$0x0];
	_ =	sdelay $0x2  }
0xc0: {  	s31 =	sshll.u32 s1, $0xD;
	s1 =	sshrl.u32 s1, $0x2  }
0xc1: {  	s3 =	sand.u32 $0x4000, s31;
	s1 =	sadd.s32 s1, s30  }
0xc2: {  	s0 =	sor.u32 s3, s0;
	s1 =	sshll.u32 s1, $0x11  }
0xc3: {  	s0 =	sor.u32 s1, s0  }
0xc4: {  	s0 =	sadd.s32 $0x8F2B, s0  }
0xc5: {  	[sflag:s0] =	ssyncadd.remote.s32 $0x1  }
0xc6: {  	_ =	sfence.sel $0xFFFF  }
0xc7: {  	[dreg:$0x0] =	wrdreg $0xFFFFFFFF;
	(pc) =	sbr.abs _section_cstart, $3  }
0xc8: {  	[dreg:$0x1] =	wrdreg $0xFFFFFFFF  }
0xc9: {  	_ =	task.clear_ibuf [dreg:s8], $0x2FFFF;
	_ =	strace $0x9FFFFFFF  }
0xca: {  	(tm) =	ssettm $0x7FFFFFFF  }
0xcb: {  	_ =	shalt  }
tec
execute0_lowered:
.L_overlay_start_1:
0x0: {  	(tag) =	ssettag $0x1  }
0x1: {  	s4 =	rddreg [dreg:$0x0]  }
0x2: {  	s1 =	rddreg [dreg:$0x1]  }
0x3: {  	s8 =	rddreg [dreg:$0x2]  }
0x4: {  	s2 =	rddreg [dreg:$0x3]  }
0x5: {  	s0 =	rddreg [dreg:$0x4]  }
0x6: {  	s5 =	srdreg.scid;
	s3 =	simm.s32 $0x0;
	s9 =	stileid.u32  }
0x7: {  	s12 =	simm.s32 $0x8000;
	s13 =	simm.s32 $0xC000;
	s14 =	simm.s32 $0x1  }
0x8: {  	s15 =	simm.s32 $0x2;
	s16 =	simm.s32 $0x0;
	s10 =	sand.u32 $0x1, s5  }
0x9: {  	[smem:$0x7FF] =	sst s3;
	s29 =	sshll.u32 s9, $0x9;
	s31 =	sshll.u32 s9, $0x14  }
0xa: {  	p0 =	sne.s32 s9, $0x0;
	s6 =	sshll.u32 s10, $0x8;
	_ =	strace $0x80000047  }
0xb: {  	s7 =	ssub.s32 $0x2, s10;
	s10 =	sshll.u32 s10, $0x13;
	s5 =	sor.u32 s6, s29  }
0xc: {  	s9 =	sshrl.u32 @!p0 s2, $0x3;
	s30 =	sshrl.u32 s7, $0x1;
	s6 =	sshll.u32 s5, $0x4  }
0xd: {  	s5 =	sshll.u32 s5, $0xB;
	s7 =	ssub.s32 s7, s30;
	s4 =	sadd.s32 s6, s4  }
0xe: {  	s11 =	sadd.s32 s5, s8;
	s7 =	smax.u32 s7, $0x1;
	s8 =	sadd.s32 s31, s8  }
0xf: {  	s4 =	sadd.s32 $0x600, s4;
	s5 =	sadd.s32 $0x7F000, s11;
	s6 =	sadd.s32 $0x7F800, s11  }
0x10: {  	s8 =	sadd.s32 s10, s8;
	s10 =	simm.s32 $0x3;
	s11 =	simm.s32 $0x80  }
.LBB2_1:
0x11: {  	s17 =	simm.s32 @!p0 $0x1C03  }
0x12: {  	[spmem:s9], [sflag:s17] =	dma.local @!p0 [hbm:s1], $0x150  }
0x13: {  	s17 =	simm.s32 @!p0 $0x3  }
0x14: {  	_ =	swait.ge @!p0 [sflag:s17], $0x150  }
0x15: {  	[sflag:s17] =	ssyncset.done @!p0 $0x0  }
0x16: {  	[sflag:s17] =	ssyncadd.s32 @!p0 $0xFFFFFEB0  }
0x17: {  	[tilespmem:s3], [sflag:$0x3] =	stream.linear.gather [hbm4b:s4+s3], $0x8000, $0x38;
	[tilespmem:$0x100A8] =	vst v63  }
0x18: {  	_ =	swait.ge [sflag:s10], $0x8000  }
0x19: {  	[sflag:s10] =	ssyncset.done $0x0  }
0x1a: {  	[sflag:s10] =	ssyncadd.s32 $0xFFFF8000  }
0x1b: {  	[bflag:$0x0] =	sbarrier.arrive $0xFFFF  }
0x1c: {  	[tilespmem:s12], [sflag:$0x1] =	stream.indirect.gather [spmem:s2], $0x80, s3, s11, $0xb8;
	[tilespmem:$0x100A8] =	vst v63  }
0x1d: {  	_ = 	snop  }
0x1e: {  	[tilespmem:s13], [sflag:$0x2] =	stream.indirect.gather [spmem:s2], $0x80, s11, s11, $0xb8;
	[tilespmem:$0x100A8] =	vst v63  }
0x1f: {  	_ =	swait.ge [sflag:s14], $0x4000  }
0x20: {  	[sflag:s14] =	ssyncset.done $0x0  }
0x21: {  	s31 =	sadd.s32 $0x0, s8;
	[sflag:s14] =	ssyncadd.s32 $0xFFFFC000  }
0x22: {  	[hbm4b:s31+s3] =	stream.linear.scatter [tilespmem:s12], [sflag:$0x3], $0x4000, $0x38;
	[tilespmem:$0x100A8] =	vst v63  }
0x23: {  	_ =	swait.ge [sflag:s10], $0x4000  }
0x24: {  	[sflag:s10] =	ssyncset.done $0x0  }
0x25: {  	s18 =	simm.s32 $0x100;
	[sflag:s10] =	ssyncadd.s32 $0xFFFFC000  }
0x26: {  	[tilespmem:s12], [sflag:$0x1] =	stream.indirect.gather [spmem:s2], $0x80, s18, s11, $0xb8;
	[tilespmem:$0x100A8] =	vst v63  }
0x27: {  	_ =	swait.ge [sflag:s15], $0x4000  }
0x28: {  	[sflag:s15] =	ssyncset.done $0x0  }
0x29: {  	s17 =	sadd.s32 $0x800, s31;
	[sflag:s15] =	ssyncadd.s32 $0xFFFFC000  }
0x2a: {  	[hbm4b:s17+s3] =	stream.linear.scatter [tilespmem:s13], [sflag:$0x3], $0x4000, $0x38;
	[tilespmem:$0x100A8] =	vst v63  }
0x2b: {  	_ =	swait.ge [sflag:s10], $0x4000  }
0x2c: {  	s19 =	simm.s32 $0x280;
	[sflag:s10] =	ssyncset.done $0x0  }
0x2d: {  	s18 =	simm.s32 $0x1000;
	s17 =	simm.s32 $0x180;
	[sflag:s10] =	ssyncadd.s32 $0xFFFFC000  }
.LBB2_2:
0x2e: {  	[tilespmem:s13], [sflag:$0x2] =	stream.indirect.gather [spmem:s2], $0x80, s17, s11, $0xb8;
	[tilespmem:$0x100A8] =	vst v63  }
0x2f: {  	s20 =	smov.u32 s18;
	s17 =	smov.u32 s19  }
0x30: {  	p1 =	sne.s32 s18, $0x7E000;
	s18 =	sadd.s32 $0x1000, s18;
	_ =	swait.ge [sflag:s14], $0x4000  }
0x31: {  	[sflag:s14] =	ssyncset.done $0x0  }
0x32: {  	s20 =	sadd.s32 s20, s8;
	[sflag:s14] =	ssyncadd.s32 $0xFFFFC000  }
0x33: {  	[hbm4b:s20+s3] =	stream.linear.scatter [tilespmem:s12], [sflag:$0x3], $0x4000, $0x38;
	[tilespmem:$0x100A8] =	vst v63  }
0x34: {  	_ =	swait.ge [sflag:s10], $0x4000  }
0x35: {  	[sflag:s10] =	ssyncset.done $0x0  }
0x36: {  	s21 =	sadd.s32 $0xFFFFFF80, s19;
	[sflag:s10] =	ssyncadd.s32 $0xFFFFC000  }
0x37: {  	[tilespmem:s12], [sflag:$0x1] =	stream.indirect.gather [spmem:s2], $0x80, s21, s11, $0xb8;
	[tilespmem:$0x100A8] =	vst v63  }
0x38: {  	_ =	swait.ge [sflag:s15], $0x4000  }
0x39: {  	[sflag:s15] =	ssyncset.done $0x0  }
.Ltmp0:
0x3a: {  	s20 =	sadd.s32 $0x800, s20;
	[sflag:s15] =	ssyncadd.s32 $0xFFFFC000;
	(pc) =	sbr.rel @p1 .LBB2_2-.Ltmp0, $4  }
0x3b: {  	[hbm4b:s20+s3] =	stream.linear.scatter [tilespmem:s13], [sflag:$0x3], $0x4000, $0x38;
	[tilespmem:$0x100A8] =	vst v63  }
0x3c: {  	_ =	swait.ge [sflag:s10], $0x4000  }
0x3d: {  	[sflag:s10] =	ssyncset.done $0x0  }
0x3e: {  	s19 =	sadd.s32 $0x100, s19;
	[sflag:s10] =	ssyncadd.s32 $0xFFFFC000  }
0x3f: {  	[tilespmem:s13], [sflag:$0x2] =	stream.indirect.gather [spmem:s2], $0x80, s17, s11, $0xb8;
	[tilespmem:$0x100A8] =	vst v63  }
0x40: {  	_ =	swait.ge [sflag:s14], $0x4000  }
0x41: {  	[sflag:s14] =	ssyncset.done $0x0  }
0x42: {  	[sflag:s14] =	ssyncadd.s32 $0xFFFFC000  }
0x43: {  	[hbm4b:s5+s3] =	stream.linear.scatter [tilespmem:s12], [sflag:$0x3], $0x4000, $0x38;
	[tilespmem:$0x100A8] =	vst v63  }
0x44: {  	_ =	swait.ge [sflag:s10], $0x4000  }
0x45: {  	[sflag:s10] =	ssyncset.done $0x0  }
0x46: {  	[sflag:s10] =	ssyncadd.s32 $0xFFFFC000  }
0x47: {  	s16 =	sadd.s32 $0x1, s16;
	_ =	swait.ge [sflag:s15], $0x4000  }
0x48: {  	p1 =	sne.s32 s16, s7;
	[sflag:s15] =	ssyncset.done $0x0  }
.Ltmp1:
0x49: {  	[sflag:s15] =	ssyncadd.s32 $0xFFFFC000;
	(pc) =	sbr.rel @p1 .LBB2_1-.Ltmp1, $4  }
0x4a: {  	[hbm4b:s6+s3] =	stream.linear.scatter [tilespmem:s13], [sflag:$0x3], $0x4000, $0x38;
	[tilespmem:$0x100A8] =	vst v63  }
0x4b: {  	_ =	swait.ge [sflag:s10], $0x4000  }
0x4c: {  	[sflag:s10] =	ssyncset.done $0x0  }
0x4d: {  	[sflag:s10] =	ssyncadd.s32 $0xFFFFC000  }
0x4e: {  	_ =	sfence.sel $0x180000  }
0x4f: {  	[bflag:$0x0] =	sbarrier.arrive $0xFFFF  }
0x50: {  	_ =	strace $0x90000047  }
0x51: {  	s0 =	sadd.s32 @!p0 $0x100000, s0;
	[bflag:$0x2] =	sbarrier.arrive $0xFFFF  }
0x52: {  	[sflag:s0] =	ssyncadd.tile.s32 @!p0 $0x1;
	_ =	shalt  }
.Lfunc_end2:
_tile_overlayer_lowered:
.L_overlay_start_2:
0x53: {  	(tag) =	ssettag $0x2  }
0x54: {  	s0 =	rddreg [dreg:$0x0];
	s2 =	stileid.u32  }
0x55: {  	s1 =	rddreg [dreg:$0x1];
	p0 =	sne.s32 s2, $0x0  }
0x56: {  	s3 =	rddreg [dreg:$0x2];
	[bflag:$0x3] =	sbarrier.arrive $0xFFFF;
	s2 =	simm.s32 @!p0 $0x1C03  }
0x57: {  	[timem:s3], [sflag:s2] =	dma.local @!p0 [hbm:s0], s1  }
0x58: {  	s0 =	simm.s32 @!p0 $0x3  }
0x59: {  	_ =	swait.ge @!p0 [sflag:s0], s1  }
0x5a: {  	s1 =	ssub.s32 @!p0 $0x0, s1;
	[sflag:s0] =	ssyncset.done @!p0 $0x0  }
0x5b: {  	[sflag:s0] =	ssyncadd.s32 @!p0 s1  }
0x5c: {  	[bflag:$0x3] =	sbarrier.arrive $0xFFFF  }
0x5d: {  	_ =	shalt  }

</sc_bundles>
